<compile_context>
chip_gen: v7x
topology: tpu7x:2x2x1
jax: 0.10.2.dev20260603
libtpu: 0.0.44.dev20260713+nightly
codegen_flags: <defaults>
</compile_context>

<pallas_src>
import functools

import jax
import jax.numpy as jnp
import numpy as np
from jax import lax
from jax.experimental import pallas as pl
from jax.experimental.pallas import tpu as pltpu
from jax.experimental.pallas import tpu_sc as plsc

_B, _K, _C, _H, _W = 32, 50, 3, 96, 320
_HW = _H * _W
_BK = _B * _K
_NPIX = _B * _C * _HW
_ROWS = _NPIX // 128


def _gumbel_draw():
    return jax.random.gumbel(jax.random.key(1234), (32 * 50, 49), jnp.float32)


@functools.lru_cache(maxsize=1)
def _gumbel_np():
    with jax.ensure_compile_time_eval():
        return np.asarray(_gumbel_draw())


def _gumbel_const_t():
    try:
        return jnp.asarray(np.ascontiguousarray(_gumbel_np().T))
    except Exception:
        return jnp.transpose(_gumbel_draw(), (1, 0))


def _focal_chunk(x, g):
    hm = jnp.clip(1.0 / (1.0 + jnp.exp(-x)), 0.0001, 1.0 - 0.0001)
    posf = (g == 1.0).astype(jnp.float32)
    negf = (g < 1.0).astype(jnp.float32)
    om_g = 1.0 - g
    om_g2 = om_g * om_g
    neg_w = om_g2 * om_g2
    om_hm = 1.0 - hm
    pos_l = jnp.log(hm) * (om_hm * om_hm) * posf
    neg_l = jnp.log(om_hm) * (hm * hm) * neg_w * negf
    return jnp.sum(posf), jnp.sum(pos_l), jnp.sum(neg_l)


def _focal_body(p0, p1, p2, p3, g0, g1, g2, g3, out_ref):
    i = pl.program_id(0)

    @pl.when(i == 0)
    def _init():
        out_ref[0] = 0.0
        out_ref[1] = 0.0
        out_ref[2] = 0.0

    np_, ps, ns = 0.0, 0.0, 0.0
    for p_ref, g_ref in ((p0, g0), (p1, g1), (p2, g2), (p3, g3)):
        a, b, c = _focal_chunk(p_ref[...], g_ref[...])
        np_ += a
        ps += b
        ns += c
    out_ref[0] += np_
    out_ref[1] += ps
    out_ref[2] += ns


def _focal_call(pred_hm, tgt_hm):
    p4 = pred_hm.reshape(4, _ROWS // 4, 128)
    t4 = tgt_hm.reshape(4, _ROWS // 4, 128)
    blk = _ROWS // 16

    def _mk(q):
        return pl.BlockSpec((1, blk, 128), lambda i, q=q: (q, i, 0))

    specs = [_mk(0), _mk(1), _mk(2), _mk(3)]
    return pl.pallas_call(
        _focal_body,
        grid=(4,),
        in_specs=specs + specs,
        out_specs=pl.BlockSpec(memory_space=pltpu.SMEM),
        out_shape=jax.ShapeDtypeStruct((3,), jnp.float32),
    )(p4, p4, p4, p4, t4, t4, t4, t4)


@functools.lru_cache(maxsize=1)
def _sc_gather_kernel():
    mesh = plsc.VectorSubcoreMesh(core_axis_name="c", subcore_axis_name="s")

    @functools.partial(
        pl.kernel,
        mesh=mesh,
        out_type=jax.ShapeDtypeStruct((_B, 32), jnp.float32),
        scratch_types=[
            pltpu.VMEM((112,), jnp.int32),
            pltpu.VMEM((112,), jnp.float32),
            pltpu.VMEM((112,), jnp.float32),
            pltpu.VMEM((112,), jnp.float32),
            pltpu.VMEM((112,), jnp.float32),
            pltpu.VMEM((32,), jnp.float32),
            pltpu.SemaphoreType.DMA,
            pltpu.SemaphoreType.DMA,
        ],
    )
    def sc_gather(idx_hbm, size_hbm, off_hbm, ts_hbm, to_hbm, out_hbm,
                  idx_v, gs_v, go_v, ts_v, to_v, st_v, sem_s, sem_o):
        w = lax.axis_index("s") * 2 + lax.axis_index("c")
        st_v[pl.ds(0, 16)] = jnp.zeros((16,), jnp.float32)
        st_v[pl.ds(16, 16)] = jnp.zeros((16,), jnp.float32)
        pltpu.sync_copy(st_v, out_hbm.at[w])

    return sc_gather


def _sc_part(flat_idx, size_flat, off_flat, ts_r, to_r):
    return _sc_gather_kernel()(flat_idx, size_flat, off_flat, ts_r, to_r)


def _combine_body(vis_ref, vist_ref, unc_ref, att_ref, g_ref,
                  head_ref, tcls_ref, treg_ref,
                  o3_ref, to3_ref, s3_ref, ts3_ref,
                  sc_ref, a_ref, out_ref):
    inf = jnp.float32(jnp.inf)
    vdamm_sum = 0.0
    for c in range(13):
        lo = 128 * c
        w = min(128, _BK - lo)
        sl = slice(lo, lo + w)
        z = att_ref[:, sl] + g_ref[:, sl]
        m = jnp.max(z, axis=0, keepdims=True)
        e = jnp.exp(z - m)
        y = e / jnp.sum(e, axis=0, keepdims=True)
        nl = jnp.full(y.shape, inf, jnp.float32)
        for j in range(49):
            cj = y[j:j + 1, :]
            nl = jnp.minimum(nl, jnp.where(cj > y, cj, inf))
        ratio = jnp.where(nl == inf, -inf, nl / y)
        rmax = jnp.max(ratio, axis=0, keepdims=True)
        thre = jnp.min(jnp.where(ratio == rmax, y, inf), axis=0,
                       keepdims=True)
        thre = jnp.where(rmax > 1000.0, thre, 0.0)
        amm = jnp.where(y >= thre, y, 0.0)
        unc = unc_ref[:, sl]
        vd = 1.4142 * jnp.exp(-unc) * jnp.abs(vis_ref[:, sl] -
                                              vist_ref[:, sl]) + unc
        vdamm_sum += jnp.sum(vd * amm)

    h12 = head_ref[:, 0:12]
    hm_ = jnp.max(h12, axis=1, keepdims=True)
    sh = h12 - hm_
    logp = sh - jnp.log(jnp.sum(jnp.exp(sh), axis=1, keepdims=True))
    oh = lax.broadcasted_iota(jnp.int32, (_BK, 12), 1) == tcls_ref[...]
    cls_sum = jnp.sum(jnp.where(oh, logp, 0.0))
    regv = jnp.sum(jnp.where(oh, head_ref[:, 12:24], 0.0), axis=1,
                   keepdims=True)
    reg_sum = jnp.sum(jnp.abs(regv - treg_ref[...]))

    off3_sum = jnp.sum(jnp.abs(o3_ref[...] - to3_ref[...]))
    size3_sum = jnp.sum(jnp.abs(s3_ref[...] - ts3_ref[...]))

    sc = sc_ref[...]
    s2d_sum = jnp.sum(sc[:, 0:16])
    o2d_sum = jnp.sum(sc[:, 16:32])

    num_pos = a_ref[0]
    pos_s = a_ref[1]
    neg_s = a_ref[2]
    seg_loss = jnp.where(num_pos == 0.0, -neg_s,
                         -(pos_s + neg_s) / jnp.maximum(num_pos, 1.0))

    size2d_loss = s2d_sum / (2.0 * _BK)
    offset2d_loss = o2d_sum / (2.0 * _BK)
    bbox2d_loss = offset2d_loss + size2d_loss

    vis_depth_loss = (vdamm_sum / (49.0 * _BK)) * 10.0
    depth_loss = vis_depth_loss * 10.0
    offset3d_loss = off3_sum / (2.0 * _BK)
    size3d_loss = size3_sum / (3.0 * _BK)
    cls_loss = -(cls_sum / _BK)
    reg_loss = reg_sum / _BK
    heading_loss = cls_loss + reg_loss

    bbox3d_loss = depth_loss + offset3d_loss + size3d_loss + heading_loss
    out_ref[0] = seg_loss + bbox2d_loss + bbox3d_loss


def _combine_call(visT, vistT, uncT, attT, gT, head, tcls, treg,
                  o3, to3, s3, ts3, sc_out, a_out):
    vspec = pl.BlockSpec(memory_space=pltpu.VMEM)
    return pl.pallas_call(
        _combine_body,
        in_specs=[vspec] * 13 + [pl.BlockSpec(memory_space=pltpu.SMEM)],
        out_specs=pl.BlockSpec(memory_space=pltpu.SMEM),
        out_shape=jax.ShapeDtypeStruct((1,), jnp.float32),
    )(visT, vistT, uncT, attT, gT, head, tcls, treg,
      o3, to3, s3, ts3, sc_out, a_out)


def kernel(pred_heatmap, pred_size_2d, pred_offset_2d, pred_vis_depth,
           pred_attention_map, pred_vis_depth_uncer, pred_offset_3d,
           pred_size_3d, pred_heading, tgt_heatmap, tgt_size_2d,
           tgt_offset_2d, tgt_vis_depth, tgt_offset_3d, tgt_size_3d,
           tgt_heading_res, pred_train_tag, tgt_mask_2d, tgt_indices,
           tgt_heading_bin):
    ind = tgt_indices.astype(jnp.int32)
    ind_p = jnp.pad(ind, ((0, 0), (0, 6)))
    base = (jnp.arange(_B, dtype=jnp.int32) * (2 * _HW))[:, None]
    flat_idx = jnp.concatenate([ind_p + base, ind_p + base + _HW], axis=1)

    def _re_tgt(t):
        tt = jnp.transpose(t, (0, 2, 1))
        return jnp.pad(tt, ((0, 0), (0, 0), (0, 6))).reshape(_B, 112)

    sc_out = _sc_part(flat_idx, pred_size_2d.reshape(-1),
                      pred_offset_2d.reshape(-1),
                      _re_tgt(tgt_size_2d), _re_tgt(tgt_offset_2d))

    a_out = jnp.zeros((3,), jnp.float32)

    return jnp.sum(sc_out) + a_out[0]

# --- scband reference (transcript-rebuilt; emitter-appended) ---
"""Pipeline reference for scband-lss-loss-5952824672298 (READ-ONLY COPY).

The authoritative reference and input builder live on the scoring server;
editing this copy changes nothing except your own understanding.
"""

import jax, jax.numpy as jnp
import numpy as np

B, K, C, H, W = 32, 50, 3, 96, 320
EPOCH = 140


def _transpose_and_gather_feat(feat, ind):
    b, c, h, w = feat.shape
    feat = jnp.transpose(feat, (0, 2, 3, 1)).reshape(b, h * w, c)
    idx = jnp.broadcast_to(ind[:, :, None], (b, ind.shape[1], c))
    return jnp.take_along_axis(feat, idx, axis=1)


def _focal_loss(pred, gt):
    pos_inds = (gt == 1.0).astype(pred.dtype)
    neg_inds = (gt < 1.0).astype(pred.dtype)
    neg_weights = jnp.power(1.0 - gt, 4)
    pos_loss = jnp.log(pred) * jnp.power(1.0 - pred, 2) * pos_inds
    neg_loss = jnp.log(1.0 - pred) * jnp.power(pred, 2) * neg_weights * neg_inds
    num_pos = pos_inds.sum()
    pos_s = pos_loss.sum()
    neg_s = neg_loss.sum()
    return jnp.where(num_pos == 0, -neg_s, -(pos_s + neg_s) / jnp.maximum(num_pos, 1.0))


def _laplacian_unc(inp, tgt, log_var):
    return 1.4142 * jnp.exp(-log_var) * jnp.abs(inp - tgt) + log_var


def _gumbel_softmax_topk_soft(logits, tau=1.0):
    g = jax.random.gumbel(jax.random.key(1234), logits.shape, logits.dtype)
    y_soft = jax.nn.softmax((logits + g) / tau, axis=-1)
    y_sort = jnp.sort(y_soft, axis=-1)
    ratios = y_sort[:, 1:] / y_sort[:, :-1]
    rmax = jnp.max(ratios, axis=-1)
    ridx = jnp.argmax(ratios, axis=-1)
    thre = jnp.take_along_axis(y_sort, ridx[:, None], axis=1)
    thre = jnp.where(rmax[:, None] > 1000.0, thre, jnp.zeros_like(thre))
    y_hard = jnp.where(y_soft >= thre, y_soft, jnp.zeros_like(y_soft))
    return jax.lax.stop_gradient(y_hard - y_soft) + y_soft


def _forward(pred_heatmap, pred_size_2d, pred_offset_2d, pred_vis_depth, pred_attention_map, pred_vis_depth_uncer, pred_offset_3d, pred_size_3d, pred_heading, tgt_heatmap, tgt_size_2d, tgt_offset_2d, tgt_vis_depth, tgt_offset_3d, tgt_size_3d, tgt_heading_res, tag_idx, mask_idx, tgt_indices, tgt_heading_bin):
    def sel(x, idx):
        return x.reshape((x.shape[0] * x.shape[1],) + x.shape[2:])[idx]

    # segmentation (gaussian focal) loss
    hm = jnp.clip(jax.nn.sigmoid(pred_heatmap), 0.0001, 1.0 - 0.0001)
    seg_loss = _focal_loss(hm, tgt_heatmap)

    # bbox2d loss
    size2d_in = sel(_transpose_and_gather_feat(pred_size_2d, tgt_indices), mask_idx)
    size2d_t = sel(tgt_size_2d, mask_idx)
    size2d_loss = jnp.mean(jnp.abs(size2d_in - size2d_t))
    offset2d_in = sel(_transpose_and_gather_feat(pred_offset_2d, tgt_indices), mask_idx)
    offset2d_t = sel(tgt_offset_2d, mask_idx)
    offset2d_loss = jnp.mean(jnp.abs(offset2d_in - offset2d_t))
    bbox2d_loss = offset2d_loss + size2d_loss

    # bbox3d loss
    vis_depth = sel(pred_vis_depth, tag_idx)
    vis_depth_t = sel(tgt_vis_depth, mask_idx)
    att = sel(pred_attention_map, tag_idx)
    unc = sel(pred_vis_depth_uncer, tag_idx)
    vd_loss_elem = _laplacian_unc(vis_depth, vis_depth_t, unc)
    if EPOCH < 100:
        vis_depth_loss = jnp.mean(vd_loss_elem)
    else:
        amm = _gumbel_softmax_topk_soft(att.reshape(-1, 49)).reshape(-1, 7, 7)
        vis_depth_loss = jnp.mean(vd_loss_elem * amm) * 10.0
    depth_loss = vis_depth_loss * 10.0
    offset3d_loss = jnp.mean(jnp.abs(sel(pred_offset_3d, tag_idx) - sel(tgt_offset_3d, mask_idx)))
    size3d_loss = jnp.mean(jnp.abs(sel(pred_size_3d, tag_idx) - sel(tgt_size_3d, mask_idx)))

    # heading loss
    head = sel(pred_heading, tag_idx)
    tcls = tgt_heading_bin.reshape(-1)[mask_idx]
    treg = tgt_heading_res.reshape(-1)[mask_idx]
    logp = jax.nn.log_softmax(head[:, 0:12], axis=-1)
    cls_loss = -jnp.mean(jnp.take_along_axis(logp, tcls[:, None], axis=1))
    onehot = jax.nn.one_hot(tcls, 12, dtype=head.dtype)
    reg = jnp.sum(head[:, 12:24] * onehot, axis=1)
    reg_loss = jnp.mean(jnp.abs(reg - treg))
    heading_loss = cls_loss + reg_loss

    bbox3d_loss = depth_loss + offset3d_loss + size3d_loss + heading_loss
    return seg_loss + bbox2d_loss + bbox3d_loss


def setup_inputs(seed: int = 0):
    key = jax.random.key(seed)
    ks = jax.random.split(key, 16)
    return {
        "pred_heatmap": jax.random.normal(ks[0], (B, C, H, W), jnp.float32),
        "pred_size_2d": jax.random.normal(ks[1], (B, 2, H, W), jnp.float32),
        "pred_offset_2d": jax.random.normal(ks[2], (B, 2, H, W), jnp.float32),
        "pred_vis_depth": jax.random.normal(ks[3], (B, K, 7, 7), jnp.float32),
        "pred_attention_map": jax.random.normal(ks[4], (B, K, 7, 7), jnp.float32),
        "pred_vis_depth_uncer": jax.random.normal(ks[5], (B, K, 7, 7), jnp.float32),
        "pred_offset_3d": jax.random.normal(ks[6], (B, K, 2), jnp.float32),
        "pred_size_3d": jax.random.normal(ks[7], (B, K, 3), jnp.float32),
        "pred_heading": jax.random.normal(ks[8], (B, K, 24), jnp.float32),
        "tgt_heatmap": jax.random.uniform(ks[9], (B, C, H, W), jnp.float32),
        "tgt_size_2d": jax.random.normal(ks[10], (B, K, 2), jnp.float32),
        "tgt_offset_2d": jax.random.normal(ks[11], (B, K, 2), jnp.float32),
        "tgt_vis_depth": jax.random.uniform(ks[12], (B, K, 7, 7), jnp.float32),
        "tgt_offset_3d": jax.random.normal(ks[13], (B, K, 2), jnp.float32),
        "tgt_size_3d": jax.random.normal(ks[14], (B, K, 3), jnp.float32),
        "tgt_heading_res": jax.random.normal(ks[15], (B, K), jnp.float32),
        "pred_train_tag": jnp.ones((B, K), dtype=bool),
        "tgt_mask_2d": jnp.ones((B, K), dtype=bool),
        "tgt_indices": jax.random.randint(jax.random.fold_in(key, 100), (B, K), 0, H * W, dtype=jnp.int32),
        "tgt_heading_bin": jax.random.randint(jax.random.fold_in(key, 101), (B, K), 0, 12, dtype=jnp.int32),
    }


def reference(pred_heatmap, pred_size_2d, pred_offset_2d, pred_vis_depth, pred_attention_map, pred_vis_depth_uncer, pred_offset_3d, pred_size_3d, pred_heading, tgt_heatmap, tgt_size_2d, tgt_offset_2d, tgt_vis_depth, tgt_offset_3d, tgt_size_3d, tgt_heading_res, pred_train_tag, tgt_mask_2d, tgt_indices, tgt_heading_bin):
    tag_idx = jnp.nonzero(pred_train_tag.reshape(-1), size=pred_train_tag.size)[0]
    mask_idx = jnp.nonzero(tgt_mask_2d.reshape(-1), size=tgt_mask_2d.size)[0]
    return _forward(pred_heatmap, pred_size_2d, pred_offset_2d, pred_vis_depth, pred_attention_map, pred_vis_depth_uncer, pred_offset_3d, pred_size_3d, pred_heading, tgt_heatmap, tgt_size_2d, tgt_offset_2d, tgt_vis_depth, tgt_offset_3d, tgt_size_3d, tgt_heading_res, tag_idx, mask_idx, tgt_indices, tgt_heading_bin)

if __name__ == "__main__":
    import jax
    _d = setup_inputs()
    print(jax.jit(kernel)(*tuple(_d.values())))

</pallas_src>

<mosaic_0001>
#map = affine_map<(d0, d1) -> (0, 0)>
#map1 = affine_map<(d0, d1) -> (0)>
module attributes {stable_mosaic.version = 14 : i64} {
  func.func @sc_gather(%arg0: i32, %arg1: i32, %arg2: memref<32x112xi32, #tpu.memory_space<hbm>>, %arg3: memref<1966080xf32, #tpu.memory_space<hbm>>, %arg4: memref<1966080xf32, #tpu.memory_space<hbm>>, %arg5: memref<32x112xf32, #tpu.memory_space<hbm>>, %arg6: memref<32x112xf32, #tpu.memory_space<hbm>>, %arg7: memref<32x32xf32, #tpu.memory_space<hbm>>, %arg8: memref<112xi32, #tpu.memory_space<vmem>>, %arg9: memref<112xf32, #tpu.memory_space<vmem>>, %arg10: memref<112xf32, #tpu.memory_space<vmem>>, %arg11: memref<112xf32, #tpu.memory_space<vmem>>, %arg12: memref<112xf32, #tpu.memory_space<vmem>>, %arg13: memref<32xf32, #tpu.memory_space<vmem>>, %arg14: memref<!tpu.dma_semaphore, #tpu.memory_space<semaphore_mem>>, %arg15: memref<!tpu.dma_semaphore, #tpu.memory_space<semaphore_mem>>) attributes {dimension_semantics = [#tpu.dimension_semantics<core_parallel>, #tpu.dimension_semantics<subcore_parallel>], iteration_bounds = array<i64: 2, 16>, scalar_prefetch = 0 : i64, scratch_operands = 8 : i64, tpu.core_type = #tpu.core_type<sc_vector_subcore>, window_params = [{transform_indices = #map}, {transform_indices = #map1}, {transform_indices = #map1}, {transform_indices = #map}, {transform_indices = #map}, {transform_indices = #map}]} {
    %mul3A = arith.constant 2 : i32
    %mul3A_0 = arith.muli %arg1, %mul3A : i32
    %add3A = arith.addi %mul3A_0, %arg0 : i32
    %broadcast_in_dim3A = arith.constant 0.000000e+00 : f32
    %broadcast_in_dim3A_1 = vector.broadcast %broadcast_in_dim3A : f32 to vector<16xf32>
    %swap3A = arith.constant 0 : index
    %swap3A_2 = tpu.vector_load %arg13[%swap3A] {strides = array<i32>} : memref<32xf32, #tpu.memory_space<vmem>>, vector<16xf32>,
    %swap3A_3 = vector.shape_cast %swap3A_2 : vector<16xf32> to vector<16xf32>
    %swap3A_4 = vector.shape_cast %broadcast_in_dim3A_1 : vector<16xf32> to vector<16xf32>
    tpu.vector_store %arg13[%swap3A], %swap3A_4 {strides = array<i32>} : memref<32xf32, #tpu.memory_space<vmem>>, vector<16xf32>,
    %broadcast_in_dim3A_5 = arith.constant 0.000000e+00 : f32
    %broadcast_in_dim3A_6 = vector.broadcast %broadcast_in_dim3A_5 : f32 to vector<16xf32>
    %swap3A_7 = arith.constant 16 : index
    %swap3A_8 = tpu.vector_load %arg13[%swap3A_7] {strides = array<i32>} : memref<32xf32, #tpu.memory_space<vmem>>, vector<16xf32>,
    %swap3A_9 = vector.shape_cast %swap3A_8 : vector<16xf32> to vector<16xf32>
    %swap3A_10 = vector.shape_cast %broadcast_in_dim3A_6 : vector<16xf32> to vector<16xf32>
    tpu.vector_store %arg13[%swap3A_7], %swap3A_10 {strides = array<i32>} : memref<32xf32, #tpu.memory_space<vmem>>, vector<16xf32>,
    "tpu.region"() ({
      %run_scoped3A = tpu.sem_alloc : memref<!tpu.dma_semaphore, #tpu.memory_space<semaphore_mem>>
      %dma_start3A = arith.constant 0 : i32
      %dma_start3A_11 = tpu.memref_slice %arg7[%add3A, %dma_start3A] : memref<32x32xf32, #tpu.memory_space<hbm>> -> memref<1x32xf32, #tpu.memory_space<hbm>>
      %dma_start3A_12 = tpu.memref_squeeze %dma_start3A_11 : memref<1x32xf32, #tpu.memory_space<hbm>> -> memref<32xf32, #tpu.memory_space<hbm>>
      %dma_start3A_13 = arith.constant 0 : i32
      %dma_start3A_14 = tpu.memref_slice %arg7[%add3A, %dma_start3A_13] : memref<32x32xf32, #tpu.memory_space<hbm>> -> memref<1x32xf32, #tpu.memory_space<hbm>>
      %dma_start3A_15 = tpu.memref_squeeze %dma_start3A_14 : memref<1x32xf32, #tpu.memory_space<hbm>> -> memref<32xf32, #tpu.memory_space<hbm>>
      tpu.enqueue_dma source(%arg13 : memref<32xf32, #tpu.memory_space<vmem>>) target(%dma_start3A_15 : memref<32xf32, #tpu.memory_space<hbm>>) target_semaphore(%run_scoped3A : memref<!tpu.dma_semaphore, #tpu.memory_space<semaphore_mem>>)
      %dma_wait3A = arith.constant 0 : i32
      %dma_wait3A_16 = tpu.memref_slice %arg7[%add3A, %dma_wait3A] : memref<32x32xf32, #tpu.memory_space<hbm>> -> memref<1x32xf32, #tpu.memory_space<hbm>>
      %dma_wait3A_17 = tpu.memref_squeeze %dma_wait3A_16 : memref<1x32xf32, #tpu.memory_space<hbm>> -> memref<32xf32, #tpu.memory_space<hbm>>
      %dma_wait3A_18 = arith.constant 0 : i32
      %dma_wait3A_19 = tpu.memref_slice %arg7[%add3A, %dma_wait3A_18] : memref<32x32xf32, #tpu.memory_space<hbm>> -> memref<1x32xf32, #tpu.memory_space<hbm>>
      %dma_wait3A_20 = tpu.memref_squeeze %dma_wait3A_19 : memref<1x32xf32, #tpu.memory_space<hbm>> -> memref<32xf32, #tpu.memory_space<hbm>>
      tpu.wait_dma2 semaphore(%run_scoped3A : memref<!tpu.dma_semaphore, #tpu.memory_space<semaphore_mem>>) src(%arg13 : memref<32xf32, #tpu.memory_space<vmem>>) dst(%dma_wait3A_20 : memref<32xf32, #tpu.memory_space<hbm>>)
      tpu.yield
    }) : () -> ()
    return
  }
}

</mosaic_0001>

<sc_bundles>
// kernel: kernel.3.cloned.1.call-start
scs
__scs_entry_jumppad:
0x0: {  	(pc) =	sbr.rel $0x88, $3  }
0x1: {  	(tag) =	ssettag $0x0;
	lr =	simm.s32 $0x1  }
0x2: {  	[smem:$0x3F9C] =	sst lr;
	_ =	strace $0xD0000000  }
0x3: {  	_ = 	snop  }
0x4: {  	_ = 	snop  }
0x5: {  	_ = 	snop  }
0x6: {  	_ = 	snop  }
0x7: {  	_ = 	snop  }
__scs_overlays_trampoline_lowered:
0x8: {  	[smem:$0x3FAB] =	sst s0  }
0x9: {  	[smem:$0x3FAC] =	sst s1  }
0xa: {  	[smem:$0x3FAD] =	sst s2  }
0xb: {  	[smem:$0x3FAE] =	sst s3  }
0xc: {  	[smem:$0x3FAF] =	sst s4  }
0xd: {  	[smem:$0x3FB0] =	sst s5  }
0xe: {  	[smem:$0x3FB1] =	sst s6  }
0xf: {  	[smem:$0x3FB2] =	sst s7  }
0x10: {  	[smem:$0x3FB3] =	sst s8  }
0x11: {  	[smem:$0x3FB4] =	sst s9;
	s0 =	simm.s32 @!p0 $0x0  }
0x12: {  	s1 =	sld [smem:$0x3F9A];
	s0 =	simm.s32 @p0 $0x1  }
0x13: {  	[smem:$0x3FB5] =	sst s0;
	s0 =	simm.s32 @!p1 $0x0  }
0x14: {  	s2 =	sld [smem:$0x3F99];
	s0 =	simm.s32 @p1 $0x1  }
0x15: {  	[smem:$0x3FB6] =	sst s0;
	s0 =	simm.s32 @!p2 $0x0  }
0x16: {  	s3 =	sld [smem:$0x3FDB];
	s0 =	simm.s32 @p2 $0x1  }
0x17: {  	s4 =	simm.s32 $0x1BF5;
	[smem:$0x3FB8] =	sst s0  }
0x18: {  	s0 =	sld [smem:$0x3F9B];
	_ =	swait.ge [sflag:s4], $0x0  }
0x19: {  	s7 =	sld [smem:$0x3F9C]  }
0x1a: {  	s8 =	sadd.s32 $0xFFFFE003, lr  }
0x1b: {  	s9 =	sadd.s32 $0xFFFFFEF7, lr;
	s5 =	simm.s32 $0xFFFFFFFF;
	p2 =	slt.u32 s8, $0xFFFFF086  }
0x1c: {  	p1 =	slt.u32 s9, $0xF7A;
	s5 =	simm.s32 @!p2 $0x0  }
0x1d: {  	s5 =	simm.s32 @p1 $0x1;
	p0 =	seq.s32 s7, s2  }
0x1e: {  	s7 =	smul.u32 @!p0 $0xF7A, s2;
	p2 =	seq.s32 @!p0 s5, $0x0  }
0x1f: {  	s9 =	smul.u32 $0xF7A, s1;
	s8 =	simm.s32 @!p0 $0x1BF5;
	p2 =	por !p2, p0  }
0x20: {  	[sflag:s8] =	ssyncset.s32 @!p0 $0xFFFFF086;
	s6 =	sadd.s32 @!p0 s3, s7;
	s7 =	simm.s32 @!p0 $0x108  }
0x21: {  	s3 =	sadd.s32 s3, s9;
	s6 =	sadd.s32 @!p0 $0x88, s6;
	s7 =	simm.s32 @p2 $0x1082  }
0x22: {  	[simem:s7], [sflag:s8] =	dma.local @!p0 [hbm:s6], $0xF7A  }
0x23: {  	s9 =	sor.u32 $0xD0000000, s2;
	s6 =	simm.s32 $0x108;
	_ =	swait.ge @!p0 [sflag:s8], $0x0  }
0x24: {  	s3 =	sadd.s32 $0x88, s3;
	s6 =	simm.s32 @!p1 $0x1082;
	[sflag:s4] =	ssyncset.s32 $0xFFFFF086  }
0x25: {  	[simem:s6], [sflag:s4] =	dma.local [hbm:s3], $0xF7A  }
0x26: {  	[smem:$0x3F9C] =	sst s1;
	(tag) =	ssettag s2;
	_ =	strace s9  }
0x27: {  	s1 =	sld [smem:$0x3FAC]  }
0x28: {  	s2 =	sld [smem:$0x3FAD]  }
0x29: {  	s4 =	sld [smem:$0x3FAF]  }
0x2a: {  	p0 =	seq.s32 s5, $0x0;
	s5 =	sld [smem:$0x3FB0]  }
0x2b: {  	s6 =	sld [smem:$0x3FB1]  }
0x2c: {  	s7 =	sld [smem:$0x3FB2]  }
0x2d: {  	s3 =	simm.s32 $0x108;
	s8 =	sld [smem:$0x3FB3]  }
0x2e: {  	s3 =	simm.s32 @!p0 $0x1082;
	s9 =	sld [smem:$0x3FB4]  }
0x2f: {  	lr =	sadd.s32 s0, s3;
	s0 =	sld [smem:$0x3FAB]  }
0x30: {  	s3 =	sld [smem:$0x3FAE]  }
0x31: {  	[smem:$0x3FB7] =	sst s10  }
0x32: {  	s10 =	sld [smem:$0x3FB5];
	_ =	sdelay $0x3  }
0x33: {  	p0 =	seq.s32 s10, $0x1;
	s10 =	sld [smem:$0x3FB7];
	_ =	sdelay $0x3  }
0x34: {  	[smem:$0x3FB7] =	sst s10  }
0x35: {  	s10 =	sld [smem:$0x3FB6];
	_ =	sdelay $0x3  }
0x36: {  	p1 =	seq.s32 s10, $0x1;
	s10 =	sld [smem:$0x3FB7];
	_ =	sdelay $0x3  }
0x37: {  	[smem:$0x3FB7] =	sst s10  }
0x38: {  	s10 =	sld [smem:$0x3FB8]  }
0x39: {  	_ = 	snop;
	(pc) =	sbr.ind lr, $3  }
0x3a: {  	_ = 	snop  }
0x3b: {  	_ = 	snop  }
0x3c: {  	p2 =	seq.s32 s10, $0x1;
	s10 =	sld [smem:$0x3FB7]  }
0x3d: {  	_ =	shalt  }
0x3e: {  	_ =	shalt  }
0x3f: {  	_ =	shalt  }
0x40: {  	_ =	shalt  }
0x41: {  	_ =	shalt  }
0x42: {  	_ =	shalt  }
0x43: {  	_ =	shalt  }
0x44: {  	_ =	shalt  }
0x45: {  	_ =	shalt  }
0x46: {  	_ =	shalt  }
0x47: {  	_ =	shalt  }
0x48: {  	_ =	shalt  }
0x49: {  	_ =	shalt  }
0x4a: {  	_ =	shalt  }
0x4b: {  	_ =	shalt  }
0x4c: {  	_ =	shalt  }
0x4d: {  	_ =	shalt  }
0x4e: {  	_ =	shalt  }
0x4f: {  	_ =	shalt  }
0x50: {  	_ =	shalt  }
0x51: {  	_ =	shalt  }
0x52: {  	_ =	shalt  }
0x53: {  	_ =	shalt  }
0x54: {  	_ =	shalt  }
0x55: {  	_ =	shalt  }
0x56: {  	_ =	shalt  }
0x57: {  	_ =	shalt  }
0x58: {  	_ =	shalt  }
0x59: {  	_ =	shalt  }
0x5a: {  	_ =	shalt  }
0x5b: {  	_ =	shalt  }
0x5c: {  	_ =	shalt  }
0x5d: {  	_ =	shalt  }
0x5e: {  	_ =	shalt  }
0x5f: {  	_ =	shalt  }
0x60: {  	_ =	shalt  }
0x61: {  	_ =	shalt  }
0x62: {  	_ =	shalt  }
0x63: {  	_ =	shalt  }
0x64: {  	_ =	shalt  }
0x65: {  	_ =	shalt  }
0x66: {  	_ =	shalt  }
0x67: {  	_ =	shalt  }
0x68: {  	_ =	shalt  }
0x69: {  	_ =	shalt  }
0x6a: {  	_ =	shalt  }
0x6b: {  	_ =	shalt  }
0x6c: {  	_ =	shalt  }
0x6d: {  	_ =	shalt  }
0x6e: {  	_ =	shalt  }
0x6f: {  	_ =	shalt  }
0x70: {  	_ =	shalt  }
0x71: {  	_ =	shalt  }
0x72: {  	_ =	shalt  }
0x73: {  	_ =	shalt  }
0x74: {  	_ =	shalt  }
0x75: {  	_ =	shalt  }
0x76: {  	_ =	shalt  }
0x77: {  	_ =	shalt  }
0x78: {  	_ =	shalt  }
0x79: {  	_ =	shalt  }
0x7a: {  	_ =	shalt  }
0x7b: {  	_ =	shalt  }
0x7c: {  	_ =	shalt  }
0x7d: {  	_ =	shalt  }
0x7e: {  	_ =	shalt  }
0x7f: {  	_ =	shalt  }
0x80: {  	_ =	shalt  }
0x81: {  	_ =	shalt  }
0x82: {  	_ =	shalt  }
0x83: {  	_ =	shalt  }
0x84: {  	_ =	shalt  }
0x85: {  	_ =	shalt  }
0x86: {  	_ =	shalt  }
0x87: {  	_ =	shalt  }
.Lfunc_end0:
.L_simem_size_0:
called_computation_lowered:
.L_overlay_start_0:
0x88: {  	s2 =	sld [smem:$0x3FD9]  }
0x89: {  	s3 =	sld [smem:$0x3FFE];
	_ =	sdelay $0x1  }
0x8a: {  	s1 =	srdreg.scid  }
0x8b: {  	s0 =	sand.u32 $0x1, s1  }
0x8c: {  	s16 =	sshll.u32 s0, $0xA;
	s2 =	sadd.s32 s3, s2  }
0x8d: {  	s2 =	sadd.s32 s2, s16  }
0x8e: {  	[smem:$0x3FC3] =	sst s2  }
0x8f: {  	_ = 	snop  }
0x90: {  	(tm) =	ssettm $0x1  }
0x91: {  	s17 =	sld [smem:$0x3FFB];
	_ =	sdelay $0x3  }
0x92: {  	_ =	strace s17  }
0x93: {  	s2 =	sld [smem:$0x3FFC];
	_ =	sdelay $0x3  }
0x94: {  	_ =	strace s2  }
0x95: {  	s2 =	sld [smem:$0x3FFD];
	_ =	sdelay $0x3  }
0x96: {  	_ =	strace s2  }
0x97: {  	_ =	strace $0x8FFFFFFF  }
0x98: {  	s18 =	sld [smem:$0x3FDB];
	_ =	sdelay $0x1  }
0x99: {  	s19 =	simm.s32 $_scs_section_size  }
0x9a: {  	s4 =	simm.s32 $_size__tile_overlayer_lowered;
	s5 =	simm.s32 $_tile_overlayer_lowered  }
0x9b: {  	s22 =	simm.s32 $0x1BFF;
	s21 =	sshll.u32 s5, $0x1;
	s2 =	sadd.s32 s19, s18  }
0x9c: {  	s6 =	simm.s32 $0x0;
	s20 =	sshll.u32 s4, $0x1;
	s4 =	sadd.s32 s21, s2  }
0x9d: {  	[timem:s6], [sflag:s22] =	dma.local [hbm:s4], s20  }
0x9e: {  	_ =	swait.ge [sflag:s22], s20  }
0x9f: {  	s3 =	ssub.s32 $0x0, s20;
	[sflag:s22] =	ssyncset.done $0x0  }
0xa0: {  	[sflag:s22] =	ssyncadd.s32 s3;
	_ =	sdelay $0x1  }
0xa1: {  	s23 =	simm.s32 $0x1B8B  }
0xa2: {  	_ =	swait.ge [sflag:s23], $0x1  }
0xa3: {  	[sflag:s23] =	ssyncset.done $0x0  }
0xa4: {  	s25 =	simm.s32 $0x1B8E;
	s24 =	sld [smem:$0x3FFE];
	[sflag:s23] =	ssyncadd.s32 $0xFFFFFFFF  }
0xa5: {  	s26 =	simm.s32 $execute0_lowered;
	[smem:$0x3FD2] =	sst s25  }
0xa6: {  	s4 =	sshll.u32 s26, $0x1;
	_ =	strace $0x80000046;
	[dreg:$0x1] =	wrdreg $0xFFFFFFFF  }
0xa7: {  	s28 =	simm.s32 $_size_execute0_lowered;
	s2 =	sadd.s32 s2, s4;
	[dreg:$0x0] =	wrdreg $0x0  }
0xa8: {  	s4 =	sshll.u32 s28, $0x1;
	[dreg:$0x2] =	wrdreg s2  }
0xa9: {  	[dreg:$0x3] =	wrdreg s4  }
0xaa: {  	[dreg:$0x4] =	wrdreg $0xC0  }
0xab: {  	_ =	task [dreg:s6], $0x5FFFF  }
0xac: {  	[dreg:$0x1] =	wrdreg $0xFFFFFFFF  }
0xad: {  	[dreg:$0x0] =	wrdreg $0x60  }
0xae: {  	[dreg:$0x2] =	wrdreg s24  }
0xaf: {  	[dreg:$0x3] =	wrdreg $0x9  }
0xb0: {  	_ =	task.clear_ibuf [dreg:s6], $0x4FFFF;
	_ =	strace $0x90000046  }
0xb1: {  	s29 =	simm.s32 $0x9;
	_ =	strace $0x80000048  }
0xb2: {  	_ =	swait.ge [sflag:s29], $0x1  }
0xb3: {  	[sflag:s29] =	ssyncadd.s32 $0xFFFFFFFF  }
0xb4: {  	_ =	strace $0x90000048  }
0xb5: {  	_ =	sfence  }
0xb6: {  	s30 =	sld [smem:$0x0];
	_ =	sdelay $0x2  }
0xb7: {  	s31 =	sshll.u32 s1, $0xD;
	s1 =	sshrl.u32 s1, $0x2  }
0xb8: {  	s3 =	sand.u32 $0x4000, s31;
	s1 =	sadd.s32 s1, s30  }
0xb9: {  	s0 =	sor.u32 s3, s0;
	s1 =	sshll.u32 s1, $0x11  }
0xba: {  	s0 =	sor.u32 s1, s0  }
0xbb: {  	s0 =	sadd.s32 $0x8F2B, s0  }
0xbc: {  	[sflag:s0] =	ssyncadd.remote.s32 $0x1  }
0xbd: {  	_ =	sfence.sel $0xFFFF  }
0xbe: {  	[dreg:$0x0] =	wrdreg $0xFFFFFFFF;
	(pc) =	sbr.abs _section_cstart, $3  }
0xbf: {  	[dreg:$0x1] =	wrdreg $0xFFFFFFFF  }
0xc0: {  	_ =	task.clear_ibuf [dreg:s6], $0x2FFFF;
	_ =	strace $0x9FFFFFFF  }
0xc1: {  	(tm) =	ssettm $0x7FFFFFFF  }
tec
execute0_lowered:
.L_overlay_start_1:
0x0: {  	(tag) =	ssettag $0x1  }
0x1: {  	s2 =	srdreg.scid  }
0x2: {  	s4 =	sand.u32 $0x1, s2  }
0x3: {  	s5 =	sshll.u32 s4, $0x4;
	s4 =	ssub.s32 $0x2, s4  }
0x4: {  	s3 =	rddreg [dreg:$0x0];
	s31 =	sshrl.u32 s4, $0x1  }
0x5: {  	s0 =	rddreg [dreg:$0x1];
	s1 =	simm.s32 $0x0;
	s4 =	ssub.s32 s4, s31  }
0x6: {  	s2 =	stileid.u32;
	s3 =	sadd.s32 s5, s3;
	s5 =	smax.u32 s4, $0x1  }
0x7: {  	v0 =	vimm.f32 $0.0e+00;
	[smem:$0x7FF] =	sst s1;
	s6 =	sshll.u32 s2, $0x5;
	p0 =	sne.s32 s5, $0x1  }
.Ltmp0:
0x8: {  	_ =	strace $0x80000047;
	[tilespmem:$0x0] =	vst v0;
	s3 =	sadd.s32 s6, s3;
	(pc) =	sbr.rel @!p0 .LBB2_2-.Ltmp0, $4  }
0x9: {  	[tilespmem:$0x10] =	vst v0;
	s3 =	sadd.s32 $0x79600, s3;
	s4 =	simm.s32 $0x1  }
0xa: {  	[hbm4b:s3+s1] =	stream.linear.scatter [tilespmem:s1], [sflag:$0x1], $0x80, $0x38;
	[tilespmem:$0x80] =	vst v63  }
0xb: {  	_ =	swait.ge [sflag:s4], $0x80  }
0xc: {  	s5 =	sadd.s32 $0xFFFFFFFF, s5;
	[sflag:s4] =	ssyncset.done $0x0  }
.LBB2_1:
0xd: {  	p0 =	sne.s32 s5, $0x1;
	s5 =	sadd.s32 $0xFFFFFFFF, s5;
	[sflag:s4] =	ssyncadd.s32 $0xFFFFFF80  }
.Ltmp1:
0xe: {  	[tilespmem:$0x0] =	vst v0;
	(pc) =	sbr.rel @p0 .LBB2_1-.Ltmp1, $4  }
0xf: {  	[tilespmem:$0x10] =	vst v0  }
0x10: {  	[hbm4b:s3+s1] =	stream.linear.scatter [tilespmem:s1], [sflag:$0x1], $0x80, $0x38;
	[tilespmem:$0x80] =	vst v63  }
0x11: {  	_ =	swait.ge [sflag:s4], $0x80  }
0x12: {  	[sflag:s4] =	ssyncset.done $0x0  }
.LBB2_2:
0x13: {  	[sflag:s4] =	ssyncadd.s32 $0xFFFFFF80  }
0x14: {  	_ =	sfence.sel $0x180000  }
0x15: {  	[bflag:$0x0] =	sbarrier.arrive $0xFFFF  }
0x16: {  	p0 =	sne.s32 s2, $0x0;
	_ =	strace $0x90000047  }
0x17: {  	s0 =	sadd.s32 @!p0 $0x100000, s0;
	[bflag:$0x2] =	sbarrier.arrive $0xFFFF  }
0x18: {  	[sflag:s0] =	ssyncadd.tile.s32 @!p0 $0x1;
	_ =	shalt  }
.Lfunc_end2:
_tile_overlayer_lowered:
.L_overlay_start_2:
0x19: {  	(tag) =	ssettag $0x2  }
0x1a: {  	s0 =	rddreg [dreg:$0x0];
	s2 =	stileid.u32  }
0x1b: {  	s1 =	rddreg [dreg:$0x1];
	p0 =	sne.s32 s2, $0x0  }
0x1c: {  	s3 =	rddreg [dreg:$0x2];
	[bflag:$0x3] =	sbarrier.arrive $0xFFFF;
	s2 =	simm.s32 @!p0 $0x1C01  }
0x1d: {  	[timem:s3], [sflag:s2] =	dma.local @!p0 [hbm:s0], s1  }
0x1e: {  	s0 =	simm.s32 @!p0 $0x1  }
0x1f: {  	_ =	swait.ge @!p0 [sflag:s0], s1  }
0x20: {  	s1 =	ssub.s32 @!p0 $0x0, s1;
	[sflag:s0] =	ssyncset.done @!p0 $0x0  }
0x21: {  	[sflag:s0] =	ssyncadd.s32 @!p0 s1  }
0x22: {  	[bflag:$0x3] =	sbarrier.arrive $0xFFFF  }
0x23: {  	_ =	shalt  }

</sc_bundles>
